<compile_context>
chip_gen: v7x
topology: tpu7x:2x2x1
jax: 0.10.2.dev20260603
libtpu: 0.0.44.dev20260713+nightly
codegen_flags: <defaults>
</compile_context>

<pallas_src>
import functools

import jax
import jax.numpy as jnp
from jax import lax
from jax.experimental import pallas as pl
from jax.experimental.pallas import tpu as pltpu
from jax.experimental.pallas import tpu_sc as plsc

V_DIM = 100000
EMB_DIM = 64
BATCH = 4096
CTX = 50

NC = 2
NS = 16
NW = NC * NS
BPW = BATCH // NW
CH = 2
NCH = BPW // CH
IDX_PAD = 104
NREG = EMB_DIM // 16


def _cbow_kernel(idx_hbm, table_hbm, out_hbm, idx_v, rows_v, out_v,
                 sem0, sem1):
    wid = lax.axis_index("s") * NC + lax.axis_index("c")

    pltpu.sync_copy(idx_hbm.at[wid], idx_v)

    sems = (sem0, sem1)

    def gather_descr(c, b, sem):
        return pltpu.make_async_copy(
            table_hbm.at[idx_v.at[c]], rows_v.at[b], sem)

    def accumulate(c, b):
        def body(j, carry):
            acc = list(carry)
            for r in range(CH):
                rr = r * CTX + j
                for d in range(NREG):
                    acc[r * NREG + d] = acc[r * NREG + d] + rows_v[
                        b, rr, pl.ds(d * 16, 16)]
            return tuple(acc)

        zero = jnp.zeros((16,), jnp.float32)
        acc = lax.fori_loop(0, CTX, body, (zero,) * (CH * NREG))
        scale = jnp.float32(1.0 / CTX)
        for r in range(CH):
            for d in range(NREG):
                out_v[c * CH + r, pl.ds(d * 16, 16)] = (
                    acc[r * NREG + d] * scale)

    gather_descr(0, 0, sems[0]).start()

    def outer(cc, carry):
        for b in range(2):
            c = cc * 2 + b
            nb = 1 - b

            @pl.when(c + 1 < NCH)
            def _():
                gather_descr(c + 1, nb, sems[nb]).start()

            gather_descr(c, b, sems[b]).wait()
            accumulate(c, b)
        return carry

    lax.fori_loop(0, NCH // 2, outer, 0)

    pltpu.sync_copy(out_v, out_hbm.at[pl.ds(wid * BPW, BPW)])


@jax.jit
def kernel(x, embeddings):
    idx = x.astype(jnp.int32).reshape(NW, NCH, CH * CTX)
    idx = jnp.pad(idx, ((0, 0), (0, 0), (0, IDX_PAD - CH * CTX)))

    mesh = plsc.VectorSubcoreMesh(core_axis_name="c", subcore_axis_name="s")
    run = pl.kernel(
        _cbow_kernel,
        mesh=mesh,
        out_type=jax.ShapeDtypeStruct((BATCH, EMB_DIM), jnp.float32),
        scratch_types=[
            pltpu.VMEM((NCH, IDX_PAD), jnp.int32),
            pltpu.VMEM((2, IDX_PAD, EMB_DIM), jnp.float32),
            pltpu.VMEM((BPW, EMB_DIM), jnp.float32),
            pltpu.SemaphoreType.DMA,
            pltpu.SemaphoreType.DMA,
        ],
        compiler_params=pltpu.CompilerParams(use_tc_tiling_on_sc=False),
    )
    return run(idx, embeddings)

# --- scband reference (transcript-rebuilt; emitter-appended) ---
"""Pipeline reference for scband-cbow-16973710754357 (READ-ONLY COPY).

The authoritative reference and input builder live on the scoring server;
editing this copy changes nothing except your own understanding.
"""

import jax, jax.numpy as jnp
import numpy as np

V_DIM = 100000
EMB_DIM = 64
BATCH = 4096
CTX = 50

def setup_inputs(seed: int = 0) -> dict:
    key = jax.random.key(seed)
    k1, k2 = jax.random.split(key)
    x = jax.random.randint(k1, (BATCH, CTX), 0, V_DIM, dtype=jnp.int64)
    # embeddings.weight.data.normal_(0, 0.1)
    embeddings = jax.random.normal(k2, (V_DIM, EMB_DIM), dtype=jnp.float32) * 0.1
    return {"x": x, "embeddings": embeddings}

def reference(x, embeddings):
    # o = self.embeddings(x)  -> gather rows
    o = jnp.take(embeddings, x, axis=0)  # [B, L, D]
    # o = torch.mean(o, dim=1)
    o = jnp.mean(o, axis=1)  # [B, D]
    return o

if __name__ == "__main__":
    import jax
    _d = setup_inputs()
    print(jax.jit(kernel)(*tuple(_d.values())))

</pallas_src>

<mosaic_0001>
#map = affine_map<(d0, d1) -> (0, 0, 0)>
#map1 = affine_map<(d0, d1) -> (0, 0)>
module attributes {stable_mosaic.version = 14 : i64} {
  func.func @_cbow_kernel(%arg0: i32, %arg1: i32, %arg2: memref<32x64x104xi32, #tpu.memory_space<hbm>>, %arg3: memref<100000x64xf32, #tpu.memory_space<hbm>>, %arg4: memref<4096x64xf32, #tpu.memory_space<hbm>>, %arg5: memref<64x104xi32, #tpu.memory_space<vmem>>, %arg6: memref<2x104x64xf32, #tpu.memory_space<vmem>>, %arg7: memref<128x64xf32, #tpu.memory_space<vmem>>, %arg8: memref<!tpu.dma_semaphore, #tpu.memory_space<semaphore_mem>>, %arg9: memref<!tpu.dma_semaphore, #tpu.memory_space<semaphore_mem>>) attributes {dimension_semantics = [#tpu.dimension_semantics<core_parallel>, #tpu.dimension_semantics<subcore_parallel>], iteration_bounds = array<i64: 2, 16>, scalar_prefetch = 0 : i64, scratch_operands = 5 : i64, tpu.core_type = #tpu.core_type<sc_vector_subcore>, window_params = [{transform_indices = #map}, {transform_indices = #map1}, {transform_indices = #map1}]} {
    %mul3A = arith.constant 2 : i32
    %mul3A_0 = arith.muli %arg1, %mul3A : i32
    %add3A = arith.addi %mul3A_0, %arg0 : i32
    "tpu.region"() ({
      %run_scoped3A = tpu.sem_alloc : memref<!tpu.dma_semaphore, #tpu.memory_space<semaphore_mem>>
      %dma_start3A_19 = arith.constant 0 : i32
      %dma_start3A_20 = arith.constant 0 : i32
      %dma_start3A_21 = tpu.memref_slice %arg2[%add3A, %dma_start3A_19, %dma_start3A_20] : memref<32x64x104xi32, #tpu.memory_space<hbm>> -> memref<1x64x104xi32, #tpu.memory_space<hbm>>
      %dma_start3A_22 = tpu.memref_squeeze %dma_start3A_21 : memref<1x64x104xi32, #tpu.memory_space<hbm>> -> memref<64x104xi32, #tpu.memory_space<hbm>>
      %dma_start3A_23 = arith.constant 0 : i32
      %dma_start3A_24 = arith.constant 0 : i32
      %dma_start3A_25 = tpu.memref_slice %arg2[%add3A, %dma_start3A_23, %dma_start3A_24] : memref<32x64x104xi32, #tpu.memory_space<hbm>> -> memref<1x64x104xi32, #tpu.memory_space<hbm>>
      %dma_start3A_26 = tpu.memref_squeeze %dma_start3A_25 : memref<1x64x104xi32, #tpu.memory_space<hbm>> -> memref<64x104xi32, #tpu.memory_space<hbm>>
      tpu.enqueue_dma source(%dma_start3A_26 : memref<64x104xi32, #tpu.memory_space<hbm>>) target(%arg5 : memref<64x104xi32, #tpu.memory_space<vmem>>) target_semaphore(%run_scoped3A : memref<!tpu.dma_semaphore, #tpu.memory_space<semaphore_mem>>)
      %dma_wait3A = arith.constant 0 : i32
      %dma_wait3A_27 = arith.constant 0 : i32
      %dma_wait3A_28 = tpu.memref_slice %arg2[%add3A, %dma_wait3A, %dma_wait3A_27] : memref<32x64x104xi32, #tpu.memory_space<hbm>> -> memref<1x64x104xi32, #tpu.memory_space<hbm>>
      %dma_wait3A_29 = tpu.memref_squeeze %dma_wait3A_28 : memref<1x64x104xi32, #tpu.memory_space<hbm>> -> memref<64x104xi32, #tpu.memory_space<hbm>>
      %dma_wait3A_30 = arith.constant 0 : i32
      %dma_wait3A_31 = arith.constant 0 : i32
      %dma_wait3A_32 = tpu.memref_slice %arg2[%add3A, %dma_wait3A_30, %dma_wait3A_31] : memref<32x64x104xi32, #tpu.memory_space<hbm>> -> memref<1x64x104xi32, #tpu.memory_space<hbm>>
      %dma_wait3A_33 = tpu.memref_squeeze %dma_wait3A_32 : memref<1x64x104xi32, #tpu.memory_space<hbm>> -> memref<64x104xi32, #tpu.memory_space<hbm>>
      tpu.wait_dma2 semaphore(%run_scoped3A : memref<!tpu.dma_semaphore, #tpu.memory_space<semaphore_mem>>) src(%dma_wait3A_33 : memref<64x104xi32, #tpu.memory_space<hbm>>) dst(%arg5 : memref<64x104xi32, #tpu.memory_space<vmem>>)
      tpu.yield
    }) : () -> ()
    %dma_start3A = arith.constant 0 : i32
    %dma_start3A_1 = arith.constant 0 : i32
    %dma_start3A_2 = arith.constant 0 : i32
    %dma_start3A_3 = arith.constant 0 : i32
    %dma_start3A_4 = tpu.memref_slice %arg6[%dma_start3A_1, %dma_start3A_2, %dma_start3A_3] : memref<2x104x64xf32, #tpu.memory_space<vmem>> -> memref<1x104x64xf32, #tpu.memory_space<vmem>>
    %dma_start3A_5 = tpu.memref_squeeze %dma_start3A_4 : memref<1x104x64xf32, #tpu.memory_space<vmem>> -> memref<104x64xf32, #tpu.memory_space<vmem>>
    %dma_start3A_6 = arith.constant 0 : i32
    %dma_start3A_7 = tpu.memref_slice %arg5[%dma_start3A, %dma_start3A_6] : memref<64x104xi32, #tpu.memory_space<vmem>> -> memref<1x104xi32, #tpu.memory_space<vmem>>
    %dma_start3A_8 = tpu.memref_squeeze %dma_start3A_7 : memref<1x104xi32, #tpu.memory_space<vmem>> -> memref<104xi32, #tpu.memory_space<vmem>>
    %dma_start3A_9 = arith.constant 0 : i32
    %dma_start3A_10 = arith.constant 0 : i32
    %dma_start3A_11 = tpu.memref_slice %arg3[%dma_start3A_9, %dma_start3A_10] : memref<100000x64xf32, #tpu.memory_space<hbm>> -> memref<100000x64xf32, #tpu.memory_space<hbm>>
    tpu.enqueue_indirect_dma source(%dma_start3A_11 : memref<100000x64xf32, #tpu.memory_space<hbm>>) target(%dma_start3A_5 : memref<104x64xf32, #tpu.memory_space<vmem>>) offsets(%dma_start3A_8 : memref<104xi32, #tpu.memory_space<vmem>>) semaphore(%arg8 : memref<!tpu.dma_semaphore, #tpu.memory_space<semaphore_mem>>)
    %scan3A = arith.constant 0 : i32
    %scan3A_12 = arith.constant 0 : i32
    %scan3A_13 = arith.constant 32 : i32
    %scan3A_14 = arith.addi %scan3A_12, %scan3A_13 : i32
    %scan3A_15 = arith.constant 1 : i32
    scf.for %scan3A_19 = %scan3A_12 to %scan3A_14 step %scan3A_15  : i32 {
      %mul3A_20 = arith.constant 2 : i32
      %mul3A_21 = arith.muli %scan3A_19, %mul3A_20 : i32
      %add3A_22 = arith.constant 0 : i32
      %add3A_23 = arith.addi %mul3A_21, %add3A_22 : i32
      %add3A_24 = arith.constant 1 : i32
      %add3A_25 = arith.addi %add3A_23, %add3A_24 : i32
      %lt3A = arith.constant 64 : i32
      %lt3A_26 = arith.cmpi slt, %add3A_25, %lt3A : i32
      %convert_element_type3A = arith.extui %lt3A_26 : i1 to i32
      %cond3A = arith.constant 0 : i32
      %cond3A_27 = arith.cmpi ne, %convert_element_type3A, %cond3A : i32
      scf.if %cond3A_27 {
        %add3A_266 = arith.constant 1 : i32
        %add3A_267 = arith.addi %add3A_23, %add3A_266 : i32
        %dma_start3A_268 = arith.constant 1 : i32
        %dma_start3A_269 = arith.constant 0 : i32
        %dma_start3A_270 = arith.constant 0 : i32
        %dma_start3A_271 = tpu.memref_slice %arg6[%dma_start3A_268, %dma_start3A_269, %dma_start3A_270] : memref<2x104x64xf32, #tpu.memory_space<vmem>> -> memref<1x104x64xf32, #tpu.memory_space<vmem>>
        %dma_start3A_272 = tpu.memref_squeeze %dma_start3A_271 : memref<1x104x64xf32, #tpu.memory_space<vmem>> -> memref<104x64xf32, #tpu.memory_space<vmem>>
        %dma_start3A_273 = arith.constant 0 : i32
        %dma_start3A_274 = tpu.memref_slice %arg5[%add3A_267, %dma_start3A_273] : memref<64x104xi32, #tpu.memory_space<vmem>> -> memref<1x104xi32, #tpu.memory_space<vmem>>
        %dma_start3A_275 = tpu.memref_squeeze %dma_start3A_274 : memref<1x104xi32, #tpu.memory_space<vmem>> -> memref<104xi32, #tpu.memory_space<vmem>>
        %dma_start3A_276 = arith.constant 0 : i32
        %dma_start3A_277 = arith.constant 0 : i32
        %dma_start3A_278 = tpu.memref_slice %arg3[%dma_start3A_276, %dma_start3A_277] : memref<100000x64xf32, #tpu.memory_space<hbm>> -> memref<100000x64xf32, #tpu.memory_space<hbm>>
        tpu.enqueue_indirect_dma source(%dma_start3A_278 : memref<100000x64xf32, #tpu.memory_space<hbm>>) target(%dma_start3A_272 : memref<104x64xf32, #tpu.memory_space<vmem>>) offsets(%dma_start3A_275 : memref<104xi32, #tpu.memory_space<vmem>>) semaphore(%arg9 : memref<!tpu.dma_semaphore, #tpu.memory_space<semaphore_mem>>)
      } else {
      }
      %dma_wait3A = arith.constant 0 : i32
      %dma_wait3A_28 = arith.constant 0 : i32
      %dma_wait3A_29 = arith.constant 0 : i32
      %dma_wait3A_30 = tpu.memref_slice %arg6[%dma_wait3A, %dma_wait3A_28, %dma_wait3A_29] : memref<2x104x64xf32, #tpu.memory_space<vmem>> -> memref<1x104x64xf32, #tpu.memory_space<vmem>>
      %dma_wait3A_31 = tpu.memref_squeeze %dma_wait3A_30 : memref<1x104x64xf32, #tpu.memory_space<vmem>> -> memref<104x64xf32, #tpu.memory_space<vmem>>
      %dma_wait3A_32 = arith.constant 0 : i32
      %dma_wait3A_33 = tpu.memref_slice %arg5[%add3A_23, %dma_wait3A_32] : memref<64x104xi32, #tpu.memory_space<vmem>> -> memref<1x104xi32, #tpu.memory_space<vmem>>
      %dma_wait3A_34 = tpu.memref_squeeze %dma_wait3A_33 : memref<1x104xi32, #tpu.memory_space<vmem>> -> memref<104xi32, #tpu.memory_space<vmem>>
      %dma_wait3A_35 = arith.constant 0 : i32
      %dma_wait3A_36 = arith.constant 0 : i32
      %dma_wait3A_37 = tpu.memref_slice %arg3[%dma_wait3A_35, %dma_wait3A_36] : memref<100000x64xf32, #tpu.memory_space<hbm>> -> memref<100000x64xf32, #tpu.memory_space<hbm>>
      tpu.wait_indirect_dma semaphore(%arg8 : memref<!tpu.dma_semaphore, #tpu.memory_space<semaphore_mem>>) src(%dma_wait3A_37 : memref<100000x64xf32, #tpu.memory_space<hbm>>) dst(%dma_wait3A_31 : memref<104x64xf32, #tpu.memory_space<vmem>>)
      %broadcast_in_dim3A = arith.constant 0.000000e+00 : f32
      %broadcast_in_dim3A_38 = vector.broadcast %broadcast_in_dim3A : f32 to vector<16xf32>
      %scan3A_39 = arith.constant 0 : i32
      %scan3A_40 = arith.constant 50 : i32
      %scan3A_41 = arith.addi %scan3A_39, %scan3A_40 : i32
      %scan3A_42 = arith.constant 1 : i32
      %scan3A_43:8 = scf.for %scan3A_266 = %scan3A_39 to %scan3A_41 step %scan3A_42 iter_args(%scan3A_267 = %broadcast_in_dim3A_38, %scan3A_268 = %broadcast_in_dim3A_38, %scan3A_269 = %broadcast_in_dim3A_38, %scan3A_270 = %broadcast_in_dim3A_38, %scan3A_271 = %broadcast_in_dim3A_38, %scan3A_272 = %broadcast_in_dim3A_38, %scan3A_273 = %broadcast_in_dim3A_38, %scan3A_274 = %broadcast_in_dim3A_38) -> (vector<16xf32>, vector<16xf32>, vector<16xf32>, vector<16xf32>, vector<16xf32>, vector<16xf32>, vector<16xf32>, vector<16xf32>)  : i32 {
        %add3A_275 = arith.constant 0 : i32
        %add3A_276 = arith.addi %add3A_275, %scan3A_266 : i32
        %get3A = arith.constant 0 : i32
        %get3A_277 = arith.index_cast %get3A : i32 to index
        %get3A_278 = arith.index_cast %add3A_276 : i32 to index
        %get3A_279 = arith.constant 0 : index
        %get3A_280 = tpu.vector_load %arg6[%get3A_277, %get3A_278, %get3A_279] {strides = array<i32>} : memref<2x104x64xf32, #tpu.memory_space<vmem>>, vector<1x1x16xf32>,
        %get3A_281 = vector.shape_cast %get3A_280 : vector<1x1x16xf32> to vector<16xf32>
        %add3A_282 = arith.addf %scan3A_267, %get3A_281 : vector<16xf32>
        %get3A_283 = arith.constant 0 : i32
        %get3A_284 = arith.index_cast %get3A_283 : i32 to index
        %get3A_285 = arith.index_cast %add3A_276 : i32 to index
        %get3A_286 = arith.constant 16 : index
        %get3A_287 = tpu.vector_load %arg6[%get3A_284, %get3A_285, %get3A_286] {strides = array<i32>} : memref<2x104x64xf32, #tpu.memory_space<vmem>>, vector<1x1x16xf32>,
        %get3A_288 = vector.shape_cast %get3A_287 : vector<1x1x16xf32> to vector<16xf32>
        %add3A_289 = arith.addf %scan3A_268, %get3A_288 : vector<16xf32>
        %get3A_290 = arith.constant 0 : i32
        %get3A_291 = arith.index_cast %get3A_290 : i32 to index
        %get3A_292 = arith.index_cast %add3A_276 : i32 to index
        %get3A_293 = arith.constant 32 : index
        %get3A_294 = tpu.vector_load %arg6[%get3A_291, %get3A_292, %get3A_293] {strides = array<i32>} : memref<2x104x64xf32, #tpu.memory_space<vmem>>, vector<1x1x16xf32>,
        %get3A_295 = vector.shape_cast %get3A_294 : vector<1x1x16xf32> to vector<16xf32>
        %add3A_296 = arith.addf %scan3A_269, %get3A_295 : vector<16xf32>
        %get3A_297 = arith.constant 0 : i32
        %get3A_298 = arith.index_cast %get3A_297 : i32 to index
        %get3A_299 = arith.index_cast %add3A_276 : i32 to index
        %get3A_300 = arith.constant 48 : index
        %get3A_301 = tpu.vector_load %arg6[%get3A_298, %get3A_299, %get3A_300] {strides = array<i32>} : memref<2x104x64xf32, #tpu.memory_space<vmem>>, vector<1x1x16xf32>,
        %get3A_302 = vector.shape_cast %get3A_301 : vector<1x1x16xf32> to vector<16xf32>
        %add3A_303 = arith.addf %scan3A_270, %get3A_302 : vector<16xf32>
        %add3A_304 = arith.constant 50 : i32
        %add3A_305 = arith.addi %add3A_304, %scan3A_266 : i32
        %get3A_306 = arith.constant 0 : i32
        %get3A_307 = arith.index_cast %get3A_306 : i32 to index
        %get3A_308 = arith.index_cast %add3A_305 : i32 to index
        %get3A_309 = arith.constant 0 : index
        %get3A_310 = tpu.vector_load %arg6[%get3A_307, %get3A_308, %get3A_309] {strides = array<i32>} : memref<2x104x64xf32, #tpu.memory_space<vmem>>, vector<1x1x16xf32>,
        %get3A_311 = vector.shape_cast %get3A_310 : vector<1x1x16xf32> to vector<16xf32>
        %add3A_312 = arith.addf %scan3A_271, %get3A_311 : vector<16xf32>
        %get3A_313 = arith.constant 0 : i32
        %get3A_314 = arith.index_cast %get3A_313 : i32 to index
        %get3A_315 = arith.index_cast %add3A_305 : i32 to index
        %get3A_316 = arith.constant 16 : index
        %get3A_317 = tpu.vector_load %arg6[%get3A_314, %get3A_315, %get3A_316] {strides = array<i32>} : memref<2x104x64xf32, #tpu.memory_space<vmem>>, vector<1x1x16xf32>,
        %get3A_318 = vector.shape_cast %get3A_317 : vector<1x1x16xf32> to vector<16xf32>
        %add3A_319 = arith.addf %scan3A_272, %get3A_318 : vector<16xf32>
        %get3A_320 = arith.constant 0 : i32
        %get3A_321 = arith.index_cast %get3A_320 : i32 to index
        %get3A_322 = arith.index_cast %add3A_305 : i32 to index
        %get3A_323 = arith.constant 32 : index
        %get3A_324 = tpu.vector_load %arg6[%get3A_321, %get3A_322, %get3A_323] {strides = array<i32>} : memref<2x104x64xf32, #tpu.memory_space<vmem>>, vector<1x1x16xf32>,
        %get3A_325 = vector.shape_cast %get3A_324 : vector<1x1x16xf32> to vector<16xf32>
        %add3A_326 = arith.addf %scan3A_273, %get3A_325 : vector<16xf32>
        %get3A_327 = arith.constant 0 : i32
        %get3A_328 = arith.index_cast %get3A_327 : i32 to index
        %get3A_329 = arith.index_cast %add3A_305 : i32 to index
        %get3A_330 = arith.constant 48 : index
        %get3A_331 = tpu.vector_load %arg6[%get3A_328, %get3A_329, %get3A_330] {strides = array<i32>} : memref<2x104x64xf32, #tpu.memory_space<vmem>>, vector<1x1x16xf32>,
        %get3A_332 = vector.shape_cast %get3A_331 : vector<1x1x16xf32> to vector<16xf32>
        %add3A_333 = arith.addf %scan3A_274, %get3A_332 : vector<16xf32>
        scf.yield %add3A_282, %add3A_289, %add3A_296, %add3A_303, %add3A_312, %add3A_319, %add3A_326, %add3A_333 : vector<16xf32>, vector<16xf32>, vector<16xf32>, vector<16xf32>, vector<16xf32>, vector<16xf32>, vector<16xf32>, vector<16xf32>
      }
      %scan3A_44 = arith.constant 50 : i32
      %mul3A_45 = arith.constant 2.000000e-02 : f32
      %mul3A_46 = vector.broadcast %mul3A_45 : f32 to vector<16xf32>
      %mul3A_47 = arith.mulf %scan3A_43#0, %mul3A_46 : vector<16xf32>
      %mul3A_48 = arith.constant 2 : i32
      %mul3A_49 = arith.muli %add3A_23, %mul3A_48 : i32
      %add3A_50 = arith.constant 0 : i32
      %add3A_51 = arith.addi %mul3A_49, %add3A_50 : i32
      %swap3A = arith.index_cast %add3A_51 : i32 to index
      %swap3A_52 = arith.constant 0 : index
      %swap3A_53 = tpu.vector_load %arg7[%swap3A, %swap3A_52] {strides = array<i32>} : memref<128x64xf32, #tpu.memory_space<vmem>>, vector<1x16xf32>,
      %swap3A_54 = vector.shape_cast %swap3A_53 : vector<1x16xf32> to vector<16xf32>
      %swap3A_55 = vector.shape_cast %mul3A_47 : vector<16xf32> to vector<1x16xf32>
      tpu.vector_store %arg7[%swap3A, %swap3A_52], %swap3A_55 {strides = array<i32>} : memref<128x64xf32, #tpu.memory_space<vmem>>, vector<1x16xf32>,
      %mul3A_56 = arith.constant 2.000000e-02 : f32
      %mul3A_57 = vector.broadcast %mul3A_56 : f32 to vector<16xf32>
      %mul3A_58 = arith.mulf %scan3A_43#1, %mul3A_57 : vector<16xf32>
      %mul3A_59 = arith.constant 2 : i32
      %mul3A_60 = arith.muli %add3A_23, %mul3A_59 : i32
      %add3A_61 = arith.constant 0 : i32
      %add3A_62 = arith.addi %mul3A_60, %add3A_61 : i32
      %swap3A_63 = arith.index_cast %add3A_62 : i32 to index
      %swap3A_64 = arith.constant 16 : index
      %swap3A_65 = tpu.vector_load %arg7[%swap3A_63, %swap3A_64] {strides = array<i32>} : memref<128x64xf32, #tpu.memory_space<vmem>>, vector<1x16xf32>,
      %swap3A_66 = vector.shape_cast %swap3A_65 : vector<1x16xf32> to vector<16xf32>
      %swap3A_67 = vector.shape_cast %mul3A_58 : vector<16xf32> to vector<1x16xf32>
      tpu.vector_store %arg7[%swap3A_63, %swap3A_64], %swap3A_67 {strides = array<i32>} : memref<128x64xf32, #tpu.memory_space<vmem>>, vector<1x16xf32>,
      %mul3A_68 = arith.constant 2.000000e-02 : f32
      %mul3A_69 = vector.broadcast %mul3A_68 : f32 to vector<16xf32>
      %mul3A_70 = arith.mulf %scan3A_43#2, %mul3A_69 : vector<16xf32>
      %mul3A_71 = arith.constant 2 : i32
      %mul3A_72 = arith.muli %add3A_23, %mul3A_71 : i32
      %add3A_73 = arith.constant 0 : i32
      %add3A_74 = arith.addi %mul3A_72, %add3A_73 : i32
      %swap3A_75 = arith.index_cast %add3A_74 : i32 to index
      %swap3A_76 = arith.constant 32 : index
      %swap3A_77 = tpu.vector_load %arg7[%swap3A_75, %swap3A_76] {strides = array<i32>} : memref<128x64xf32, #tpu.memory_space<vmem>>, vector<1x16xf32>,
      %swap3A_78 = vector.shape_cast %swap3A_77 : vector<1x16xf32> to vector<16xf32>
      %swap3A_79 = vector.shape_cast %mul3A_70 : vector<16xf32> to vector<1x16xf32>
      tpu.vector_store %arg7[%swap3A_75, %swap3A_76], %swap3A_79 {strides = array<i32>} : memref<128x64xf32, #tpu.memory_space<vmem>>, vector<1x16xf32>,
      %mul3A_80 = arith.constant 2.000000e-02 : f32
      %mul3A_81 = vector.broadcast %mul3A_80 : f32 to vector<16xf32>
      %mul3A_82 = arith.mulf %scan3A_43#3, %mul3A_81 : vector<16xf32>
      %mul3A_83 = arith.constant 2 : i32
      %mul3A_84 = arith.muli %add3A_23, %mul3A_83 : i32
      %add3A_85 = arith.constant 0 : i32
      %add3A_86 = arith.addi %mul3A_84, %add3A_85 : i32
      %swap3A_87 = arith.index_cast %add3A_86 : i32 to index
      %swap3A_88 = arith.constant 48 : index
      %swap3A_89 = tpu.vector_load %arg7[%swap3A_87, %swap3A_88] {strides = array<i32>} : memref<128x64xf32, #tpu.memory_space<vmem>>, vector<1x16xf32>,
      %swap3A_90 = vector.shape_cast %swap3A_89 : vector<1x16xf32> to vector<16xf32>
      %swap3A_91 = vector.shape_cast %mul3A_82 : vector<16xf32> to vector<1x16xf32>
      tpu.vector_store %arg7[%swap3A_87, %swap3A_88], %swap3A_91 {strides = array<i32>} : memref<128x64xf32, #tpu.memory_space<vmem>>, vector<1x16xf32>,
      %mul3A_92 = arith.constant 2.000000e-02 : f32
      %mul3A_93 = vector.broadcast %mul3A_92 : f32 to vector<16xf32>
      %mul3A_94 = arith.mulf %scan3A_43#4, %mul3A_93 : vector<16xf32>
      %mul3A_95 = arith.constant 2 : i32
      %mul3A_96 = arith.muli %add3A_23, %mul3A_95 : i32
      %add3A_97 = arith.constant 1 : i32
      %add3A_98 = arith.addi %mul3A_96, %add3A_97 : i32
      %swap3A_99 = arith.index_cast %add3A_98 : i32 to index
      %swap3A_100 = arith.constant 0 : index
      %swap3A_101 = tpu.vector_load %arg7[%swap3A_99, %swap3A_100] {strides = array<i32>} : memref<128x64xf32, #tpu.memory_space<vmem>>, vector<1x16xf32>,
      %swap3A_102 = vector.shape_cast %swap3A_101 : vector<1x16xf32> to vector<16xf32>
      %swap3A_103 = vector.shape_cast %mul3A_94 : vector<16xf32> to vector<1x16xf32>
      tpu.vector_store %arg7[%swap3A_99, %swap3A_100], %swap3A_103 {strides = array<i32>} : memref<128x64xf32, #tpu.memory_space<vmem>>, vector<1x16xf32>,
      %mul3A_104 = arith.constant 2.000000e-02 : f32
      %mul3A_105 = vector.broadcast %mul3A_104 : f32 to vector<16xf32>
      %mul3A_106 = arith.mulf %scan3A_43#5, %mul3A_105 : vector<16xf32>
      %mul3A_107 = arith.constant 2 : i32
      %mul3A_108 = arith.muli %add3A_23, %mul3A_107 : i32
      %add3A_109 = arith.constant 1 : i32
      %add3A_110 = arith.addi %mul3A_108, %add3A_109 : i32
      %swap3A_111 = arith.index_cast %add3A_110 : i32 to index
      %swap3A_112 = arith.constant 16 : index
      %swap3A_113 = tpu.vector_load %arg7[%swap3A_111, %swap3A_112] {strides = array<i32>} : memref<128x64xf32, #tpu.memory_space<vmem>>, vector<1x16xf32>,
      %swap3A_114 = vector.shape_cast %swap3A_113 : vector<1x16xf32> to vector<16xf32>
      %swap3A_115 = vector.shape_cast %mul3A_106 : vector<16xf32> to vector<1x16xf32>
      tpu.vector_store %arg7[%swap3A_111, %swap3A_112], %swap3A_115 {strides = array<i32>} : memref<128x64xf32, #tpu.memory_space<vmem>>, vector<1x16xf32>,
      %mul3A_116 = arith.constant 2.000000e-02 : f32
      %mul3A_117 = vector.broadcast %mul3A_116 : f32 to vector<16xf32>
      %mul3A_118 = arith.mulf %scan3A_43#6, %mul3A_117 : vector<16xf32>
      %mul3A_119 = arith.constant 2 : i32
      %mul3A_120 = arith.muli %add3A_23, %mul3A_119 : i32
      %add3A_121 = arith.constant 1 : i32
      %add3A_122 = arith.addi %mul3A_120, %add3A_121 : i32
      %swap3A_123 = arith.index_cast %add3A_122 : i32 to index
      %swap3A_124 = arith.constant 32 : index
      %swap3A_125 = tpu.vector_load %arg7[%swap3A_123, %swap3A_124] {strides = array<i32>} : memref<128x64xf32, #tpu.memory_space<vmem>>, vector<1x16xf32>,
      %swap3A_126 = vector.shape_cast %swap3A_125 : vector<1x16xf32> to vector<16xf32>
      %swap3A_127 = vector.shape_cast %mul3A_118 : vector<16xf32> to vector<1x16xf32>
      tpu.vector_store %arg7[%swap3A_123, %swap3A_124], %swap3A_127 {strides = array<i32>} : memref<128x64xf32, #tpu.memory_space<vmem>>, vector<1x16xf32>,
      %mul3A_128 = arith.constant 2.000000e-02 : f32
      %mul3A_129 = vector.broadcast %mul3A_128 : f32 to vector<16xf32>
      %mul3A_130 = arith.mulf %scan3A_43#7, %mul3A_129 : vector<16xf32>
      %mul3A_131 = arith.constant 2 : i32
      %mul3A_132 = arith.muli %add3A_23, %mul3A_131 : i32
      %add3A_133 = arith.constant 1 : i32
      %add3A_134 = arith.addi %mul3A_132, %add3A_133 : i32
      %swap3A_135 = arith.index_cast %add3A_134 : i32 to index
      %swap3A_136 = arith.constant 48 : index
      %swap3A_137 = tpu.vector_load %arg7[%swap3A_135, %swap3A_136] {strides = array<i32>} : memref<128x64xf32, #tpu.memory_space<vmem>>, vector<1x16xf32>,
      %swap3A_138 = vector.shape_cast %swap3A_137 : vector<1x16xf32> to vector<16xf32>
      %swap3A_139 = vector.shape_cast %mul3A_130 : vector<16xf32> to vector<1x16xf32>
      tpu.vector_store %arg7[%swap3A_135, %swap3A_136], %swap3A_139 {strides = array<i32>} : memref<128x64xf32, #tpu.memory_space<vmem>>, vector<1x16xf32>,
      %mul3A_140 = arith.constant 2 : i32
      %mul3A_141 = arith.muli %scan3A_19, %mul3A_140 : i32
      %add3A_142 = arith.constant 1 : i32
      %add3A_143 = arith.addi %mul3A_141, %add3A_142 : i32
      %add3A_144 = arith.constant 1 : i32
      %add3A_145 = arith.addi %add3A_143, %add3A_144 : i32
      %lt3A_146 = arith.constant 64 : i32
      %lt3A_147 = arith.cmpi slt, %add3A_145, %lt3A_146 : i32
      %convert_element_type3A_148 = arith.extui %lt3A_147 : i1 to i32
      %cond3A_149 = arith.constant 0 : i32
      %cond3A_150 = arith.cmpi ne, %convert_element_type3A_148, %cond3A_149 : i32
      scf.if %cond3A_150 {
        %add3A_266 = arith.constant 1 : i32
        %add3A_267 = arith.addi %add3A_143, %add3A_266 : i32
        %dma_start3A_268 = arith.constant 0 : i32
        %dma_start3A_269 = arith.constant 0 : i32
        %dma_start3A_270 = arith.constant 0 : i32
        %dma_start3A_271 = tpu.memref_slice %arg6[%dma_start3A_268, %dma_start3A_269, %dma_start3A_270] : memref<2x104x64xf32, #tpu.memory_space<vmem>> -> memref<1x104x64xf32, #tpu.memory_space<vmem>>
        %dma_start3A_272 = tpu.memref_squeeze %dma_start3A_271 : memref<1x104x64xf32, #tpu.memory_space<vmem>> -> memref<104x64xf32, #tpu.memory_space<vmem>>
        %dma_start3A_273 = arith.constant 0 : i32
        %dma_start3A_274 = tpu.memref_slice %arg5[%add3A_267, %dma_start3A_273] : memref<64x104xi32, #tpu.memory_space<vmem>> -> memref<1x104xi32, #tpu.memory_space<vmem>>
        %dma_start3A_275 = tpu.memref_squeeze %dma_start3A_274 : memref<1x104xi32, #tpu.memory_space<vmem>> -> memref<104xi32, #tpu.memory_space<vmem>>
        %dma_start3A_276 = arith.constant 0 : i32
        %dma_start3A_277 = arith.constant 0 : i32
        %dma_start3A_278 = tpu.memref_slice %arg3[%dma_start3A_276, %dma_start3A_277] : memref<100000x64xf32, #tpu.memory_space<hbm>> -> memref<100000x64xf32, #tpu.memory_space<hbm>>
        tpu.enqueue_indirect_dma source(%dma_start3A_278 : memref<100000x64xf32, #tpu.memory_space<hbm>>) target(%dma_start3A_272 : memref<104x64xf32, #tpu.memory_space<vmem>>) offsets(%dma_start3A_275 : memref<104xi32, #tpu.memory_space<vmem>>) semaphore(%arg8 : memref<!tpu.dma_semaphore, #tpu.memory_space<semaphore_mem>>)
      } else {
      }
      %dma_wait3A_151 = arith.constant 1 : i32
      %dma_wait3A_152 = arith.constant 0 : i32
      %dma_wait3A_153 = arith.constant 0 : i32
      %dma_wait3A_154 = tpu.memref_slice %arg6[%dma_wait3A_151, %dma_wait3A_152, %dma_wait3A_153] : memref<2x104x64xf32, #tpu.memory_space<vmem>> -> memref<1x104x64xf32, #tpu.memory_space<vmem>>
      %dma_wait3A_155 = tpu.memref_squeeze %dma_wait3A_154 : memref<1x104x64xf32, #tpu.memory_space<vmem>> -> memref<104x64xf32, #tpu.memory_space<vmem>>
      %dma_wait3A_156 = arith.constant 0 : i32
      %dma_wait3A_157 = tpu.memref_slice %arg5[%add3A_143, %dma_wait3A_156] : memref<64x104xi32, #tpu.memory_space<vmem>> -> memref<1x104xi32, #tpu.memory_space<vmem>>
      %dma_wait3A_158 = tpu.memref_squeeze %dma_wait3A_157 : memref<1x104xi32, #tpu.memory_space<vmem>> -> memref<104xi32, #tpu.memory_space<vmem>>
      %dma_wait3A_159 = arith.constant 0 : i32
      %dma_wait3A_160 = arith.constant 0 : i32
      %dma_wait3A_161 = tpu.memref_slice %arg3[%dma_wait3A_159, %dma_wait3A_160] : memref<100000x64xf32, #tpu.memory_space<hbm>> -> memref<100000x64xf32, #tpu.memory_space<hbm>>
      tpu.wait_indirect_dma semaphore(%arg9 : memref<!tpu.dma_semaphore, #tpu.memory_space<semaphore_mem>>) src(%dma_wait3A_161 : memref<100000x64xf32, #tpu.memory_space<hbm>>) dst(%dma_wait3A_155 : memref<104x64xf32, #tpu.memory_space<vmem>>)
      %broadcast_in_dim3A_162 = arith.constant 0.000000e+00 : f32
      %broadcast_in_dim3A_163 = vector.broadcast %broadcast_in_dim3A_162 : f32 to vector<16xf32>
      %scan3A_164 = arith.constant 0 : i32
      %scan3A_165 = arith.constant 50 : i32
      %scan3A_166 = arith.addi %scan3A_164, %scan3A_165 : i32
      %scan3A_167 = arith.constant 1 : i32
      %scan3A_168:8 = scf.for %scan3A_266 = %scan3A_164 to %scan3A_166 step %scan3A_167 iter_args(%scan3A_267 = %broadcast_in_dim3A_163, %scan3A_268 = %broadcast_in_dim3A_163, %scan3A_269 = %broadcast_in_dim3A_163, %scan3A_270 = %broadcast_in_dim3A_163, %scan3A_271 = %broadcast_in_dim3A_163, %scan3A_272 = %broadcast_in_dim3A_163, %scan3A_273 = %broadcast_in_dim3A_163, %scan3A_274 = %broadcast_in_dim3A_163) -> (vector<16xf32>, vector<16xf32>, vector<16xf32>, vector<16xf32>, vector<16xf32>, vector<16xf32>, vector<16xf32>, vector<16xf32>)  : i32 {
        %add3A_275 = arith.constant 0 : i32
        %add3A_276 = arith.addi %add3A_275, %scan3A_266 : i32
        %get3A = arith.constant 1 : i32
        %get3A_277 = arith.index_cast %get3A : i32 to index
        %get3A_278 = arith.index_cast %add3A_276 : i32 to index
        %get3A_279 = arith.constant 0 : index
        %get3A_280 = tpu.vector_load %arg6[%get3A_277, %get3A_278, %get3A_279] {strides = array<i32>} : memref<2x104x64xf32, #tpu.memory_space<vmem>>, vector<1x1x16xf32>,
        %get3A_281 = vector.shape_cast %get3A_280 : vector<1x1x16xf32> to vector<16xf32>
        %add3A_282 = arith.addf %scan3A_267, %get3A_281 : vector<16xf32>
        %get3A_283 = arith.constant 1 : i32
        %get3A_284 = arith.index_cast %get3A_283 : i32 to index
        %get3A_285 = arith.index_cast %add3A_276 : i32 to index
        %get3A_286 = arith.constant 16 : index
        %get3A_287 = tpu.vector_load %arg6[%get3A_284, %get3A_285, %get3A_286] {strides = array<i32>} : memref<2x104x64xf32, #tpu.memory_space<vmem>>, vector<1x1x16xf32>,
        %get3A_288 = vector.shape_cast %get3A_287 : vector<1x1x16xf32> to vector<16xf32>
        %add3A_289 = arith.addf %scan3A_268, %get3A_288 : vector<16xf32>
        %get3A_290 = arith.constant 1 : i32
        %get3A_291 = arith.index_cast %get3A_290 : i32 to index
        %get3A_292 = arith.index_cast %add3A_276 : i32 to index
        %get3A_293 = arith.constant 32 : index
        %get3A_294 = tpu.vector_load %arg6[%get3A_291, %get3A_292, %get3A_293] {strides = array<i32>} : memref<2x104x64xf32, #tpu.memory_space<vmem>>, vector<1x1x16xf32>,
        %get3A_295 = vector.shape_cast %get3A_294 : vector<1x1x16xf32> to vector<16xf32>
        %add3A_296 = arith.addf %scan3A_269, %get3A_295 : vector<16xf32>
        %get3A_297 = arith.constant 1 : i32
        %get3A_298 = arith.index_cast %get3A_297 : i32 to index
        %get3A_299 = arith.index_cast %add3A_276 : i32 to index
        %get3A_300 = arith.constant 48 : index
        %get3A_301 = tpu.vector_load %arg6[%get3A_298, %get3A_299, %get3A_300] {strides = array<i32>} : memref<2x104x64xf32, #tpu.memory_space<vmem>>, vector<1x1x16xf32>,
        %get3A_302 = vector.shape_cast %get3A_301 : vector<1x1x16xf32> to vector<16xf32>
        %add3A_303 = arith.addf %scan3A_270, %get3A_302 : vector<16xf32>
        %add3A_304 = arith.constant 50 : i32
        %add3A_305 = arith.addi %add3A_304, %scan3A_266 : i32
        %get3A_306 = arith.constant 1 : i32
        %get3A_307 = arith.index_cast %get3A_306 : i32 to index
        %get3A_308 = arith.index_cast %add3A_305 : i32 to index
        %get3A_309 = arith.constant 0 : index
        %get3A_310 = tpu.vector_load %arg6[%get3A_307, %get3A_308, %get3A_309] {strides = array<i32>} : memref<2x104x64xf32, #tpu.memory_space<vmem>>, vector<1x1x16xf32>,
        %get3A_311 = vector.shape_cast %get3A_310 : vector<1x1x16xf32> to vector<16xf32>
        %add3A_312 = arith.addf %scan3A_271, %get3A_311 : vector<16xf32>
        %get3A_313 = arith.constant 1 : i32
        %get3A_314 = arith.index_cast %get3A_313 : i32 to index
        %get3A_315 = arith.index_cast %add3A_305 : i32 to index
        %get3A_316 = arith.constant 16 : index
        %get3A_317 = tpu.vector_load %arg6[%get3A_314, %get3A_315, %get3A_316] {strides = array<i32>} : memref<2x104x64xf32, #tpu.memory_space<vmem>>, vector<1x1x16xf32>,
        %get3A_318 = vector.shape_cast %get3A_317 : vector<1x1x16xf32> to vector<16xf32>
        %add3A_319 = arith.addf %scan3A_272, %get3A_318 : vector<16xf32>
        %get3A_320 = arith.constant 1 : i32
        %get3A_321 = arith.index_cast %get3A_320 : i32 to index
        %get3A_322 = arith.index_cast %add3A_305 : i32 to index
        %get3A_323 = arith.constant 32 : index
        %get3A_324 = tpu.vector_load %arg6[%get3A_321, %get3A_322, %get3A_323] {strides = array<i32>} : memref<2x104x64xf32, #tpu.memory_space<vmem>>, vector<1x1x16xf32>,
        %get3A_325 = vector.shape_cast %get3A_324 : vector<1x1x16xf32> to vector<16xf32>
        %add3A_326 = arith.addf %scan3A_273, %get3A_325 : vector<16xf32>
        %get3A_327 = arith.constant 1 : i32
        %get3A_328 = arith.index_cast %get3A_327 : i32 to index
        %get3A_329 = arith.index_cast %add3A_305 : i32 to index
        %get3A_330 = arith.constant 48 : index
        %get3A_331 = tpu.vector_load %arg6[%get3A_328, %get3A_329, %get3A_330] {strides = array<i32>} : memref<2x104x64xf32, #tpu.memory_space<vmem>>, vector<1x1x16xf32>,
        %get3A_332 = vector.shape_cast %get3A_331 : vector<1x1x16xf32> to vector<16xf32>
        %add3A_333 = arith.addf %scan3A_274, %get3A_332 : vector<16xf32>
        scf.yield %add3A_282, %add3A_289, %add3A_296, %add3A_303, %add3A_312, %add3A_319, %add3A_326, %add3A_333 : vector<16xf32>, vector<16xf32>, vector<16xf32>, vector<16xf32>, vector<16xf32>, vector<16xf32>, vector<16xf32>, vector<16xf32>
      }
      %scan3A_169 = arith.constant 50 : i32
      %mul3A_170 = arith.constant 2.000000e-02 : f32
      %mul3A_171 = vector.broadcast %mul3A_170 : f32 to vector<16xf32>
      %mul3A_172 = arith.mulf %scan3A_168#0, %mul3A_171 : vector<16xf32>
      %mul3A_173 = arith.constant 2 : i32
      %mul3A_174 = arith.muli %add3A_143, %mul3A_173 : i32
      %add3A_175 = arith.constant 0 : i32
      %add3A_176 = arith.addi %mul3A_174, %add3A_175 : i32
      %swap3A_177 = arith.index_cast %add3A_176 : i32 to index
      %swap3A_178 = arith.constant 0 : index
      %swap3A_179 = tpu.vector_load %arg7[%swap3A_177, %swap3A_178] {strides = array<i32>} : memref<128x64xf32, #tpu.memory_space<vmem>>, vector<1x16xf32>,
      %swap3A_180 = vector.shape_cast %swap3A_179 : vector<1x16xf32> to vector<16xf32>
      %swap3A_181 = vector.shape_cast %mul3A_172 : vector<16xf32> to vector<1x16xf32>
      tpu.vector_store %arg7[%swap3A_177, %swap3A_178], %swap3A_181 {strides = array<i32>} : memref<128x64xf32, #tpu.memory_space<vmem>>, vector<1x16xf32>,
      %mul3A_182 = arith.constant 2.000000e-02 : f32
      %mul3A_183 = vector.broadcast %mul3A_182 : f32 to vector<16xf32>
      %mul3A_184 = arith.mulf %scan3A_168#1, %mul3A_183 : vector<16xf32>
      %mul3A_185 = arith.constant 2 : i32
      %mul3A_186 = arith.muli %add3A_143, %mul3A_185 : i32
      %add3A_187 = arith.constant 0 : i32
      %add3A_188 = arith.addi %mul3A_186, %add3A_187 : i32
      %swap3A_189 = arith.index_cast %add3A_188 : i32 to index
      %swap3A_190 = arith.constant 16 : index
      %swap3A_191 = tpu.vector_load %arg7[%swap3A_189, %swap3A_190] {strides = array<i32>} : memref<128x64xf32, #tpu.memory_space<vmem>>, vector<1x16xf32>,
      %swap3A_192 = vector.shape_cast %swap3A_191 : vector<1x16xf32> to vector<16xf32>
      %swap3A_193 = vector.shape_cast %mul3A_184 : vector<16xf32> to vector<1x16xf32>
      tpu.vector_store %arg7[%swap3A_189, %swap3A_190], %swap3A_193 {strides = array<i32>} : memref<128x64xf32, #tpu.memory_space<vmem>>, vector<1x16xf32>,
      %mul3A_194 = arith.constant 2.000000e-02 : f32
      %mul3A_195 = vector.broadcast %mul3A_194 : f32 to vector<16xf32>
      %mul3A_196 = arith.mulf %scan3A_168#2, %mul3A_195 : vector<16xf32>
      %mul3A_197 = arith.constant 2 : i32
      %mul3A_198 = arith.muli %add3A_143, %mul3A_197 : i32
      %add3A_199 = arith.constant 0 : i32
      %add3A_200 = arith.addi %mul3A_198, %add3A_199 : i32
      %swap3A_201 = arith.index_cast %add3A_200 : i32 to index
      %swap3A_202 = arith.constant 32 : index
      %swap3A_203 = tpu.vector_load %arg7[%swap3A_201, %swap3A_202] {strides = array<i32>} : memref<128x64xf32, #tpu.memory_space<vmem>>, vector<1x16xf32>,
      %swap3A_204 = vector.shape_cast %swap3A_203 : vector<1x16xf32> to vector<16xf32>
      %swap3A_205 = vector.shape_cast %mul3A_196 : vector<16xf32> to vector<1x16xf32>
      tpu.vector_store %arg7[%swap3A_201, %swap3A_202], %swap3A_205 {strides = array<i32>} : memref<128x64xf32, #tpu.memory_space<vmem>>, vector<1x16xf32>,
      %mul3A_206 = arith.constant 2.000000e-02 : f32
      %mul3A_207 = vector.broadcast %mul3A_206 : f32 to vector<16xf32>
      %mul3A_208 = arith.mulf %scan3A_168#3, %mul3A_207 : vector<16xf32>
      %mul3A_209 = arith.constant 2 : i32
      %mul3A_210 = arith.muli %add3A_143, %mul3A_209 : i32
      %add3A_211 = arith.constant 0 : i32
      %add3A_212 = arith.addi %mul3A_210, %add3A_211 : i32
      %swap3A_213 = arith.index_cast %add3A_212 : i32 to index
      %swap3A_214 = arith.constant 48 : index
      %swap3A_215 = tpu.vector_load %arg7[%swap3A_213, %swap3A_214] {strides = array<i32>} : memref<128x64xf32, #tpu.memory_space<vmem>>, vector<1x16xf32>,
      %swap3A_216 = vector.shape_cast %swap3A_215 : vector<1x16xf32> to vector<16xf32>
      %swap3A_217 = vector.shape_cast %mul3A_208 : vector<16xf32> to vector<1x16xf32>
      tpu.vector_store %arg7[%swap3A_213, %swap3A_214], %swap3A_217 {strides = array<i32>} : memref<128x64xf32, #tpu.memory_space<vmem>>, vector<1x16xf32>,
      %mul3A_218 = arith.constant 2.000000e-02 : f32
      %mul3A_219 = vector.broadcast %mul3A_218 : f32 to vector<16xf32>
      %mul3A_220 = arith.mulf %scan3A_168#4, %mul3A_219 : vector<16xf32>
      %mul3A_221 = arith.constant 2 : i32
      %mul3A_222 = arith.muli %add3A_143, %mul3A_221 : i32
      %add3A_223 = arith.constant 1 : i32
      %add3A_224 = arith.addi %mul3A_222, %add3A_223 : i32
      %swap3A_225 = arith.index_cast %add3A_224 : i32 to index
      %swap3A_226 = arith.constant 0 : index
      %swap3A_227 = tpu.vector_load %arg7[%swap3A_225, %swap3A_226] {strides = array<i32>} : memref<128x64xf32, #tpu.memory_space<vmem>>, vector<1x16xf32>,
      %swap3A_228 = vector.shape_cast %swap3A_227 : vector<1x16xf32> to vector<16xf32>
      %swap3A_229 = vector.shape_cast %mul3A_220 : vector<16xf32> to vector<1x16xf32>
      tpu.vector_store %arg7[%swap3A_225, %swap3A_226], %swap3A_229 {strides = array<i32>} : memref<128x64xf32, #tpu.memory_space<vmem>>, vector<1x16xf32>,
      %mul3A_230 = arith.constant 2.000000e-02 : f32
      %mul3A_231 = vector.broadcast %mul3A_230 : f32 to vector<16xf32>
      %mul3A_232 = arith.mulf %scan3A_168#5, %mul3A_231 : vector<16xf32>
      %mul3A_233 = arith.constant 2 : i32
      %mul3A_234 = arith.muli %add3A_143, %mul3A_233 : i32
      %add3A_235 = arith.constant 1 : i32
      %add3A_236 = arith.addi %mul3A_234, %add3A_235 : i32
      %swap3A_237 = arith.index_cast %add3A_236 : i32 to index
      %swap3A_238 = arith.constant 16 : index
      %swap3A_239 = tpu.vector_load %arg7[%swap3A_237, %swap3A_238] {strides = array<i32>} : memref<128x64xf32, #tpu.memory_space<vmem>>, vector<1x16xf32>,
      %swap3A_240 = vector.shape_cast %swap3A_239 : vector<1x16xf32> to vector<16xf32>
      %swap3A_241 = vector.shape_cast %mul3A_232 : vector<16xf32> to vector<1x16xf32>
      tpu.vector_store %arg7[%swap3A_237, %swap3A_238], %swap3A_241 {strides = array<i32>} : memref<128x64xf32, #tpu.memory_space<vmem>>, vector<1x16xf32>,
      %mul3A_242 = arith.constant 2.000000e-02 : f32
      %mul3A_243 = vector.broadcast %mul3A_242 : f32 to vector<16xf32>
      %mul3A_244 = arith.mulf %scan3A_168#6, %mul3A_243 : vector<16xf32>
      %mul3A_245 = arith.constant 2 : i32
      %mul3A_246 = arith.muli %add3A_143, %mul3A_245 : i32
      %add3A_247 = arith.constant 1 : i32
      %add3A_248 = arith.addi %mul3A_246, %add3A_247 : i32
      %swap3A_249 = arith.index_cast %add3A_248 : i32 to index
      %swap3A_250 = arith.constant 32 : index
      %swap3A_251 = tpu.vector_load %arg7[%swap3A_249, %swap3A_250] {strides = array<i32>} : memref<128x64xf32, #tpu.memory_space<vmem>>, vector<1x16xf32>,
      %swap3A_252 = vector.shape_cast %swap3A_251 : vector<1x16xf32> to vector<16xf32>
      %swap3A_253 = vector.shape_cast %mul3A_244 : vector<16xf32> to vector<1x16xf32>
      tpu.vector_store %arg7[%swap3A_249, %swap3A_250], %swap3A_253 {strides = array<i32>} : memref<128x64xf32, #tpu.memory_space<vmem>>, vector<1x16xf32>,
      %mul3A_254 = arith.constant 2.000000e-02 : f32
      %mul3A_255 = vector.broadcast %mul3A_254 : f32 to vector<16xf32>
      %mul3A_256 = arith.mulf %scan3A_168#7, %mul3A_255 : vector<16xf32>
      %mul3A_257 = arith.constant 2 : i32
      %mul3A_258 = arith.muli %add3A_143, %mul3A_257 : i32
      %add3A_259 = arith.constant 1 : i32
      %add3A_260 = arith.addi %mul3A_258, %add3A_259 : i32
      %swap3A_261 = arith.index_cast %add3A_260 : i32 to index
      %swap3A_262 = arith.constant 48 : index
      %swap3A_263 = tpu.vector_load %arg7[%swap3A_261, %swap3A_262] {strides = array<i32>} : memref<128x64xf32, #tpu.memory_space<vmem>>, vector<1x16xf32>,
      %swap3A_264 = vector.shape_cast %swap3A_263 : vector<1x16xf32> to vector<16xf32>
      %swap3A_265 = vector.shape_cast %mul3A_256 : vector<16xf32> to vector<1x16xf32>
      tpu.vector_store %arg7[%swap3A_261, %swap3A_262], %swap3A_265 {strides = array<i32>} : memref<128x64xf32, #tpu.memory_space<vmem>>, vector<1x16xf32>,
    }
    %scan3A_16 = arith.constant 32 : i32
    %mul3A_17 = arith.constant 128 : i32
    %mul3A_18 = arith.muli %add3A, %mul3A_17 : i32
    "tpu.region"() ({
      %run_scoped3A = tpu.sem_alloc : memref<!tpu.dma_semaphore, #tpu.memory_space<semaphore_mem>>
      %dma_start3A_19 = arith.constant 0 : i32
      %dma_start3A_20 = tpu.memref_slice %arg4[%mul3A_18, %dma_start3A_19] : memref<4096x64xf32, #tpu.memory_space<hbm>> -> memref<128x64xf32, #tpu.memory_space<hbm>>
      %dma_start3A_21 = arith.constant 0 : i32
      %dma_start3A_22 = tpu.memref_slice %arg4[%mul3A_18, %dma_start3A_21] : memref<4096x64xf32, #tpu.memory_space<hbm>> -> memref<128x64xf32, #tpu.memory_space<hbm>>
      tpu.enqueue_dma source(%arg7 : memref<128x64xf32, #tpu.memory_space<vmem>>) target(%dma_start3A_22 : memref<128x64xf32, #tpu.memory_space<hbm>>) target_semaphore(%run_scoped3A : memref<!tpu.dma_semaphore, #tpu.memory_space<semaphore_mem>>)
      %dma_wait3A = arith.constant 0 : i32
      %dma_wait3A_23 = tpu.memref_slice %arg4[%mul3A_18, %dma_wait3A] : memref<4096x64xf32, #tpu.memory_space<hbm>> -> memref<128x64xf32, #tpu.memory_space<hbm>>
      %dma_wait3A_24 = arith.constant 0 : i32
      %dma_wait3A_25 = tpu.memref_slice %arg4[%mul3A_18, %dma_wait3A_24] : memref<4096x64xf32, #tpu.memory_space<hbm>> -> memref<128x64xf32, #tpu.memory_space<hbm>>
      tpu.wait_dma2 semaphore(%run_scoped3A : memref<!tpu.dma_semaphore, #tpu.memory_space<semaphore_mem>>) src(%arg7 : memref<128x64xf32, #tpu.memory_space<vmem>>) dst(%dma_wait3A_25 : memref<128x64xf32, #tpu.memory_space<hbm>>)
      tpu.yield
    }) : () -> ()
    return
  }
}

</mosaic_0001>

<sc_bundles>
// kernel: kernel.3.cloned.1.call-start
scs
__scs_entry_jumppad:
0x0: {  	(pc) =	sbr.rel $0x88, $3  }
0x1: {  	(tag) =	ssettag $0x0;
	lr =	simm.s32 $0x1  }
0x2: {  	[smem:$0x3F9F] =	sst lr;
	_ =	strace $0xD0000000  }
0x3: {  	_ = 	snop  }
0x4: {  	_ = 	snop  }
0x5: {  	_ = 	snop  }
0x6: {  	_ = 	snop  }
0x7: {  	_ = 	snop  }
__scs_overlays_trampoline_lowered:
0x8: {  	[smem:$0x3FAE] =	sst s0  }
0x9: {  	[smem:$0x3FAF] =	sst s1  }
0xa: {  	[smem:$0x3FB0] =	sst s2  }
0xb: {  	[smem:$0x3FB1] =	sst s3  }
0xc: {  	[smem:$0x3FB2] =	sst s4  }
0xd: {  	[smem:$0x3FB3] =	sst s5  }
0xe: {  	[smem:$0x3FB4] =	sst s6  }
0xf: {  	[smem:$0x3FB5] =	sst s7  }
0x10: {  	[smem:$0x3FB6] =	sst s8  }
0x11: {  	[smem:$0x3FB7] =	sst s9;
	s0 =	simm.s32 @!p0 $0x0  }
0x12: {  	s1 =	sld [smem:$0x3F9D];
	s0 =	simm.s32 @p0 $0x1  }
0x13: {  	[smem:$0x3FB8] =	sst s0;
	s0 =	simm.s32 @!p1 $0x0  }
0x14: {  	s2 =	sld [smem:$0x3F9C];
	s0 =	simm.s32 @p1 $0x1  }
0x15: {  	[smem:$0x3FB9] =	sst s0;
	s0 =	simm.s32 @!p2 $0x0  }
0x16: {  	s3 =	sld [smem:$0x3FDB];
	s0 =	simm.s32 @p2 $0x1  }
0x17: {  	s4 =	simm.s32 $0x1BF5;
	[smem:$0x3FBB] =	sst s0  }
0x18: {  	s0 =	sld [smem:$0x3F9E];
	_ =	swait.ge [sflag:s4], $0x0  }
0x19: {  	s7 =	sld [smem:$0x3F9F]  }
0x1a: {  	s8 =	sadd.s32 $0xFFFFE003, lr  }
0x1b: {  	s9 =	sadd.s32 $0xFFFFFEF7, lr;
	s5 =	simm.s32 $0xFFFFFFFF;
	p2 =	slt.u32 s8, $0xFFFFF086  }
0x1c: {  	p1 =	slt.u32 s9, $0xF7A;
	s5 =	simm.s32 @!p2 $0x0  }
0x1d: {  	s5 =	simm.s32 @p1 $0x1;
	p0 =	seq.s32 s7, s2  }
0x1e: {  	s7 =	smul.u32 @!p0 $0xF7A, s2;
	p2 =	seq.s32 @!p0 s5, $0x0  }
0x1f: {  	s9 =	smul.u32 $0xF7A, s1;
	s8 =	simm.s32 @!p0 $0x1BF5;
	p2 =	por !p2, p0  }
0x20: {  	[sflag:s8] =	ssyncset.s32 @!p0 $0xFFFFF086;
	s6 =	sadd.s32 @!p0 s3, s7;
	s7 =	simm.s32 @!p0 $0x108  }
0x21: {  	s3 =	sadd.s32 s3, s9;
	s6 =	sadd.s32 @!p0 $0x88, s6;
	s7 =	simm.s32 @p2 $0x1082  }
0x22: {  	[simem:s7], [sflag:s8] =	dma.local @!p0 [hbm:s6], $0xF7A  }
0x23: {  	s9 =	sor.u32 $0xD0000000, s2;
	s6 =	simm.s32 $0x108;
	_ =	swait.ge @!p0 [sflag:s8], $0x0  }
0x24: {  	s3 =	sadd.s32 $0x88, s3;
	s6 =	simm.s32 @!p1 $0x1082;
	[sflag:s4] =	ssyncset.s32 $0xFFFFF086  }
0x25: {  	[simem:s6], [sflag:s4] =	dma.local [hbm:s3], $0xF7A  }
0x26: {  	[smem:$0x3F9F] =	sst s1;
	(tag) =	ssettag s2;
	_ =	strace s9  }
0x27: {  	s1 =	sld [smem:$0x3FAF]  }
0x28: {  	s2 =	sld [smem:$0x3FB0]  }
0x29: {  	s4 =	sld [smem:$0x3FB2]  }
0x2a: {  	p0 =	seq.s32 s5, $0x0;
	s5 =	sld [smem:$0x3FB3]  }
0x2b: {  	s6 =	sld [smem:$0x3FB4]  }
0x2c: {  	s7 =	sld [smem:$0x3FB5]  }
0x2d: {  	s3 =	simm.s32 $0x108;
	s8 =	sld [smem:$0x3FB6]  }
0x2e: {  	s3 =	simm.s32 @!p0 $0x1082;
	s9 =	sld [smem:$0x3FB7]  }
0x2f: {  	lr =	sadd.s32 s0, s3;
	s0 =	sld [smem:$0x3FAE]  }
0x30: {  	s3 =	sld [smem:$0x3FB1]  }
0x31: {  	[smem:$0x3FBA] =	sst s10  }
0x32: {  	s10 =	sld [smem:$0x3FB8];
	_ =	sdelay $0x3  }
0x33: {  	p0 =	seq.s32 s10, $0x1;
	s10 =	sld [smem:$0x3FBA];
	_ =	sdelay $0x3  }
0x34: {  	[smem:$0x3FBA] =	sst s10  }
0x35: {  	s10 =	sld [smem:$0x3FB9];
	_ =	sdelay $0x3  }
0x36: {  	p1 =	seq.s32 s10, $0x1;
	s10 =	sld [smem:$0x3FBA];
	_ =	sdelay $0x3  }
0x37: {  	[smem:$0x3FBA] =	sst s10  }
0x38: {  	s10 =	sld [smem:$0x3FBB]  }
0x39: {  	_ = 	snop;
	(pc) =	sbr.ind lr, $3  }
0x3a: {  	_ = 	snop  }
0x3b: {  	_ = 	snop  }
0x3c: {  	p2 =	seq.s32 s10, $0x1;
	s10 =	sld [smem:$0x3FBA]  }
0x3d: {  	_ =	shalt  }
0x3e: {  	_ =	shalt  }
0x3f: {  	_ =	shalt  }
0x40: {  	_ =	shalt  }
0x41: {  	_ =	shalt  }
0x42: {  	_ =	shalt  }
0x43: {  	_ =	shalt  }
0x44: {  	_ =	shalt  }
0x45: {  	_ =	shalt  }
0x46: {  	_ =	shalt  }
0x47: {  	_ =	shalt  }
0x48: {  	_ =	shalt  }
0x49: {  	_ =	shalt  }
0x4a: {  	_ =	shalt  }
0x4b: {  	_ =	shalt  }
0x4c: {  	_ =	shalt  }
0x4d: {  	_ =	shalt  }
0x4e: {  	_ =	shalt  }
0x4f: {  	_ =	shalt  }
0x50: {  	_ =	shalt  }
0x51: {  	_ =	shalt  }
0x52: {  	_ =	shalt  }
0x53: {  	_ =	shalt  }
0x54: {  	_ =	shalt  }
0x55: {  	_ =	shalt  }
0x56: {  	_ =	shalt  }
0x57: {  	_ =	shalt  }
0x58: {  	_ =	shalt  }
0x59: {  	_ =	shalt  }
0x5a: {  	_ =	shalt  }
0x5b: {  	_ =	shalt  }
0x5c: {  	_ =	shalt  }
0x5d: {  	_ =	shalt  }
0x5e: {  	_ =	shalt  }
0x5f: {  	_ =	shalt  }
0x60: {  	_ =	shalt  }
0x61: {  	_ =	shalt  }
0x62: {  	_ =	shalt  }
0x63: {  	_ =	shalt  }
0x64: {  	_ =	shalt  }
0x65: {  	_ =	shalt  }
0x66: {  	_ =	shalt  }
0x67: {  	_ =	shalt  }
0x68: {  	_ =	shalt  }
0x69: {  	_ =	shalt  }
0x6a: {  	_ =	shalt  }
0x6b: {  	_ =	shalt  }
0x6c: {  	_ =	shalt  }
0x6d: {  	_ =	shalt  }
0x6e: {  	_ =	shalt  }
0x6f: {  	_ =	shalt  }
0x70: {  	_ =	shalt  }
0x71: {  	_ =	shalt  }
0x72: {  	_ =	shalt  }
0x73: {  	_ =	shalt  }
0x74: {  	_ =	shalt  }
0x75: {  	_ =	shalt  }
0x76: {  	_ =	shalt  }
0x77: {  	_ =	shalt  }
0x78: {  	_ =	shalt  }
0x79: {  	_ =	shalt  }
0x7a: {  	_ =	shalt  }
0x7b: {  	_ =	shalt  }
0x7c: {  	_ =	shalt  }
0x7d: {  	_ =	shalt  }
0x7e: {  	_ =	shalt  }
0x7f: {  	_ =	shalt  }
0x80: {  	_ =	shalt  }
0x81: {  	_ =	shalt  }
0x82: {  	_ =	shalt  }
0x83: {  	_ =	shalt  }
0x84: {  	_ =	shalt  }
0x85: {  	_ =	shalt  }
0x86: {  	_ =	shalt  }
0x87: {  	_ =	shalt  }
.Lfunc_end0:
.L_simem_size_0:
called_computation_lowered:
.L_overlay_start_0:
0x88: {  	s2 =	sld [smem:$0x3FD9]  }
0x89: {  	s3 =	sld [smem:$0x3FFE];
	_ =	sdelay $0x1  }
0x8a: {  	s1 =	srdreg.scid  }
0x8b: {  	s0 =	sand.u32 $0x1, s1  }
0x8c: {  	s17 =	sshll.u32 s0, $0xA;
	s2 =	sadd.s32 s3, s2  }
0x8d: {  	s2 =	sadd.s32 s2, s17  }
0x8e: {  	[smem:$0x3FC6] =	sst s2  }
0x8f: {  	_ = 	snop  }
0x90: {  	s2 =	sld [smem:$0x3FD0];
	(tm) =	ssettm $0x1  }
0x91: {  	s18 =	sld [smem:$0x3FFB];
	_ =	sdelay $0x3  }
0x92: {  	_ =	strace s18  }
0x93: {  	s3 =	sld [smem:$0x3FFC];
	_ =	sdelay $0x3  }
0x94: {  	_ =	strace s3  }
0x95: {  	s3 =	sld [smem:$0x3FFD];
	_ =	sdelay $0x3  }
0x96: {  	_ =	strace s3  }
0x97: {  	_ =	strace $0x8FFFFFFF  }
0x98: {  	s19 =	sld [smem:$0x3FDB];
	_ =	sdelay $0x1  }
0x99: {  	s4 =	simm.s32 $_scs_section_size  }
0x9a: {  	s5 =	simm.s32 $_size__tile_overlayer_lowered;
	s6 =	simm.s32 $_tile_overlayer_lowered  }
0x9b: {  	s22 =	simm.s32 $0x1BFF;
	s21 =	sshll.u32 s6, $0x1;
	s3 =	sadd.s32 s4, s19  }
0x9c: {  	s7 =	simm.s32 $0x0;
	s20 =	sshll.u32 s5, $0x1;
	s5 =	sadd.s32 s21, s3  }
0x9d: {  	[timem:s7], [sflag:s22] =	dma.local [hbm:s5], s20  }
0x9e: {  	_ =	swait.ge [sflag:s22], s20  }
0x9f: {  	s4 =	ssub.s32 $0x0, s20;
	[sflag:s22] =	ssyncset.done $0x0  }
0xa0: {  	[sflag:s22] =	ssyncadd.s32 s4;
	_ =	sdelay $0x1  }
0xa1: {  	s23 =	simm.s32 $0x1B8B  }
0xa2: {  	_ =	swait.ge [sflag:s23], $0x1  }
0xa3: {  	[sflag:s23] =	ssyncset.done $0x0  }
0xa4: {  	s25 =	simm.s32 $0x1B8E;
	s24 =	sld [smem:$0x3FFE];
	[sflag:s23] =	ssyncadd.s32 $0xFFFFFFFF  }
0xa5: {  	s26 =	simm.s32 $execute0_lowered;
	[smem:$0x3FD2] =	sst s25  }
0xa6: {  	s5 =	sshll.u32 s26, $0x1;
	_ =	strace $0x80000046;
	[dreg:$0x1] =	wrdreg $0xFFFFFFFF  }
0xa7: {  	s28 =	simm.s32 $_size_execute0_lowered;
	s3 =	sadd.s32 s3, s5;
	[dreg:$0x0] =	wrdreg $0x0  }
0xa8: {  	s5 =	sshll.u32 s28, $0x1;
	[dreg:$0x2] =	wrdreg s3  }
0xa9: {  	[dreg:$0x3] =	wrdreg s5  }
0xaa: {  	[dreg:$0x4] =	wrdreg $0xC0  }
0xab: {  	_ =	task [dreg:s7], $0x5FFFF  }
0xac: {  	[dreg:$0x1] =	wrdreg $0xFFFFFFFF  }
0xad: {  	[dreg:$0x0] =	wrdreg $0x60  }
0xae: {  	[dreg:$0x2] =	wrdreg s24  }
0xaf: {  	[dreg:$0x3] =	wrdreg s2  }
0xb0: {  	[dreg:$0x4] =	wrdreg $0x9  }
0xb1: {  	_ =	task.clear_ibuf [dreg:s7], $0x5FFFF;
	_ =	strace $0x90000046  }
0xb2: {  	s29 =	simm.s32 $0x9;
	_ =	strace $0x80000048  }
0xb3: {  	_ =	swait.ge [sflag:s29], $0x1  }
0xb4: {  	[sflag:s29] =	ssyncadd.s32 $0xFFFFFFFF  }
0xb5: {  	_ =	strace $0x90000048  }
0xb6: {  	_ =	sfence  }
0xb7: {  	s30 =	sld [smem:$0x0];
	_ =	sdelay $0x2  }
0xb8: {  	s31 =	sshll.u32 s1, $0xD;
	s1 =	sshrl.u32 s1, $0x2  }
0xb9: {  	s3 =	sand.u32 $0x4000, s31;
	s1 =	sadd.s32 s1, s30  }
0xba: {  	s0 =	sor.u32 s3, s0;
	s1 =	sshll.u32 s1, $0x11  }
0xbb: {  	s0 =	sor.u32 s1, s0  }
0xbc: {  	s0 =	sadd.s32 $0x8F2B, s0  }
0xbd: {  	[sflag:s0] =	ssyncadd.remote.s32 $0x1  }
0xbe: {  	_ =	sfence.sel $0xFFFF  }
0xbf: {  	[dreg:$0x0] =	wrdreg $0xFFFFFFFF;
	(pc) =	sbr.abs _section_cstart, $3  }
0xc0: {  	[dreg:$0x1] =	wrdreg $0xFFFFFFFF  }
0xc1: {  	_ =	task.clear_ibuf [dreg:s7], $0x2FFFF;
	_ =	strace $0x9FFFFFFF  }
0xc2: {  	(tm) =	ssettm $0x7FFFFFFF  }
0xc3: {  	_ =	shalt  }
tec
execute0_lowered:
.L_overlay_start_1:
0x0: {  	(tag) =	ssettag $0x1  }
0x1: {  	s1 =	srdreg.scid;
	s3 =	rddreg [dreg:$0x0]  }
0x2: {  	s0 =	stileid.u32;
	s5 =	rddreg [dreg:$0x1];
	s2 =	simm.s32 $0x0  }
0x3: {  	s9 =	simm.s32 $0x1A00;
	s10 =	simm.s32 $0x3400;
	s11 =	simm.s32 $0x1  }
0x4: {  	s12 =	simm.s32 $0x2;
	s13 =	simm.s32 $0x4E00;
	s14 =	simm.s32 $0x0  }
0x5: {  	s4 =	sand.u32 $0x1, s1;
	s31 =	sshll.u32 s0, $0x1;
	s1 =	rddreg [dreg:$0x2]  }
0x6: {  	[smem:$0x7FF] =	sst s2;
	s6 =	sor.u32 s4, s31;
	s4 =	ssub.s32 $0x2, s4  }
0x7: {  	s7 =	smul.u32 $0x340, s6;
	s8 =	sshrl.u32 s4, $0x1;
	s6 =	sshll.u32 s6, $0xA  }
0x8: {  	_ =	strace $0x80000047;
	s8 =	ssub.s32 s4, s8;
	s5 =	sadd.s32 s5, s6  }
0x9: {  	s7 =	sadd.s32 s7, s3;
	s3 =	sadd.s32 $0x187000, s3;
	s6 =	smax.u32 s8, $0x1  }
0xa: {  	s8 =	simm.s32 $0x68;
	s4 =	sadd.s32 $0x600, s7;
	s7 =	simm.s32 $0x3  }
.LBB2_1:
0xb: {  	[tilespmem:s2], [sflag:$0x3] =	stream.linear.gather [hbm4b:s4+s2], $0x1A00, $0x38;
	[tilespmem:$0x6E00] =	vst v63  }
0xc: {  	_ =	swait.ge [sflag:s7], $0x1A00  }
0xd: {  	[sflag:s7] =	ssyncset.done $0x0  }
0xe: {  	s15 =	simm.s32 $0x0;
	[sflag:s7] =	ssyncadd.s32 $0xFFFFE600  }
0xf: {  	[tilespmem:s9], [sflag:$0x1] =	stream.indirect.gather [hbm4b:s3+s8], $0x40, s2, s8, $0xb8;
	[tilespmem:$0x6E00] =	vst v63  }
.LBB2_2:
0x10: {  	s16 =	sshllo.u32 s15, $0x1  }
0x11: {  	s17 =	smul.u32 $0x1A0, s16;
	_ =	sdelay $0x1  }
0x12: {  	s17 =	sshra.s32 s17, $0x2  }
0x13: {  	[tilespmem:s10], [sflag:$0x2] =	stream.indirect.gather [hbm4b:s3+s8], $0x40, s17, s8, $0xb8;
	[tilespmem:$0x6E00] =	vst v63  }
0x14: {  	_ =	swait.ge [sflag:s11], $0x1A00  }
0x15: {  	[sflag:s11] =	ssyncset.done $0x0  }
0x16: {  	s19 =	simm.s32 $0x20;
	[sflag:s11] =	ssyncadd.s32 $0xFFFFE600  }
0x17: {  	v0 =	vld [tilespmem:s19+$0x2690]  }
0x18: {  	v1 =	vld [tilespmem:s19+$0x19E0]  }
0x19: {  	v3 =	vld [tilespmem:s19+$0x19F0]  }
0x1a: {  	v12 =	vld [tilespmem:s19+$0x1A00]  }
0x1b: {  	v11 =	vld [tilespmem:s19+$0x1A10]  }
0x1c: {  	v2 =	vimm.f32 $0.0e+00;
	v7 =	vimm.f32 $0.0e+00;
	v8 =	vld [tilespmem:s19+$0x2660]  }
0x1d: {  	v10 =	vimm.f32 $0.0e+00;
	v5 =	vld [tilespmem:s19+$0x2670];
	v0 =	vadd.f32 v0, v2;
	v6 =	vadd.f32 v1, v2  }
0x1e: {  	s18 =	simm.s32 $0x280;
	s17 =	simm.s32 $0x60;
	v9 =	vld [tilespmem:s19+$0x2680];
	v4 =	vadd.f32 v3, v2;
	v3 =	vimm.f32 $0.0e+00;
	v1 =	vimm.f32 $0.0e+00  }
.LBB2_3:
0x1f: {  	p0 =	sne.s32 s18, $0x3180;
	v13 =	vld [tilespmem:s17+$0x2690];
	v2 =	vadd.f32 v12, v2  }
0x20: {  	v14 =	vld [tilespmem:s17+$0x19E0];
	v7 =	vadd.f32 v11, v7  }
0x21: {  	v15 =	vld [tilespmem:s17+$0x19F0];
	v10 =	vadd.f32 v8, v10  }
.Ltmp0:
0x22: {  	v12 =	vld [tilespmem:s17+$0x1A00];
	v3 =	vadd.f32 v5, v3;
	(pc) =	sbr.rel @p0 .LBB2_3-.Ltmp0, $4  }
0x23: {  	v11 =	vld [tilespmem:s17+$0x1A10];
	v1 =	vadd.f32 v9, v1  }
0x24: {  	v8 =	vld [tilespmem:s17+$0x2660];
	v0 =	vadd.f32 v13, v0  }
0x25: {  	v6 =	vadd.f32 v14, v6;
	v5 =	vld [tilespmem:s17+$0x2670]  }
0x26: {  	v4 =	vadd.f32 v15, v4;
	v9 =	vld [tilespmem:s17+$0x2680];
	s17 =	sshra.s32 s18, $0x2;
	s18 =	sadd.s32 $0x100, s18  }
0x27: {  	v13 =	vld [tilespmem:s17+$0x19E0]  }
0x28: {  	v14 =	vld [tilespmem:s17+$0x19F0]  }
0x29: {  	v15 =	vld [tilespmem:s17+$0x1A00]  }
0x2a: {  	v2 =	vadd.f32 v12, v2;
	v12 =	vld [tilespmem:s17+$0x2670]  }
0x2b: {  	v7 =	vadd.f32 v11, v7;
	v11 =	vld [tilespmem:s17+$0x2680]  }
0x2c: {  	v16 =	vld [tilespmem:s17+$0x1A10];
	v8 =	vadd.f32 v8, v10;
	v6 =	vadd.f32 v13, v6  }
0x2d: {  	v17 =	vld [tilespmem:s17+$0x2660];
	v3 =	vadd.f32 v5, v3;
	v4 =	vadd.f32 v14, v4  }
0x2e: {  	s30 =	sshll.u32 s15, $0x8;
	v10 =	vld [tilespmem:s17+$0x2690];
	v1 =	vadd.f32 v9, v1;
	v2 =	vadd.f32 v15, v2;
	v6 =	vmul.f32 $1.999999960e-02, v6  }
0x2f: {  	s17 =	sand.u32 $0x3FFFFF00, s30;
	v3 =	vadd.f32 v12, v3;
	v4 =	vmul.f32 $1.999999960e-02, v4  }
0x30: {  	v1 =	vadd.f32 v11, v1;
	v2 =	vmul.f32 $1.999999960e-02, v2;
	[tilespmem:s17+$0x4E00] =	vst v6  }
0x31: {  	v5 =	vadd.f32 v16, v7;
	v3 =	vmul.f32 $1.999999960e-02, v3;
	[tilespmem:s17+$0x4E10] =	vst v4  }
0x32: {  	v7 =	vadd.f32 v17, v8;
	v1 =	vmul.f32 $1.999999960e-02, v1;
	[tilespmem:s17+$0x4E20] =	vst v2  }
0x33: {  	p0 =	seq.s32 s15, $0x1F;
	v0 =	vadd.f32 v10, v0;
	v4 =	vmul.f32 $1.999999960e-02, v5;
	[tilespmem:s17+$0x4E50] =	vst v3  }
0x34: {  	s18 =	smul.u32 @!p0 $0x340, s15;
	v2 =	vmul.f32 $1.999999960e-02, v7;
	[tilespmem:s17+$0x4E60] =	vst v1  }
0x35: {  	v0 =	vmul.f32 $1.999999960e-02, v0;
	[tilespmem:s17+$0x4E30] =	vst v4  }
0x36: {  	s18 =	sshra.s32 @!p0 s18, $0x2;
	[tilespmem:s17+$0x4E40] =	vst v2  }
0x37: {  	s19 =	simm.s32 @!p0 $0x1A00;
	[tilespmem:s17+$0x4E70] =	vst v0;
	s17 =	sadd.s32 @!p0 $0xD0, s18;
	s18 =	simm.s32 @!p0 $0x68  }
0x38: {  	[tilespmem:s19], [sflag:$0x1] =	stream.indirect.gather @!p0 [hbm4b:s3+s18], $0x40, s17, s18, $0xb8;
	[tilespmem:$0x6E00] =	vst v63  }
0x39: {  	_ =	swait.ge [sflag:s12], $0x1A00  }
0x3a: {  	[sflag:s12] =	ssyncset.done $0x0  }
0x3b: {  	s31 =	simm.s32 $0xFFFFF380;
	[sflag:s12] =	ssyncadd.s32 $0xFFFFE600  }
0x3c: {  	v0 =	vld [tilespmem:s31+$0x4D30]  }
0x3d: {  	v1 =	vld [tilespmem:s31+$0x4080]  }
0x3e: {  	v3 =	vld [tilespmem:s31+$0x4090]  }
0x3f: {  	v12 =	vld [tilespmem:s31+$0x40A0]  }
0x40: {  	v11 =	vld [tilespmem:s31+$0x40B0]  }
0x41: {  	v10 =	vimm.f32 $0.0e+00;
	v2 =	vimm.f32 $0.0e+00;
	v8 =	vld [tilespmem:s31+$0x4D00]  }
0x42: {  	v7 =	vimm.f32 $0.0e+00;
	v5 =	vld [tilespmem:s31+$0x4D10];
	v0 =	vadd.f32 v0, v2;
	v6 =	vadd.f32 v1, v2  }
0x43: {  	s17 =	simm.s32 $0xFFFFF3C0;
	s18 =	simm.s32 $0xFFFFD000;
	v9 =	vld [tilespmem:s31+$0x4D20];
	v4 =	vadd.f32 v3, v2;
	v3 =	vimm.f32 $0.0e+00;
	v1 =	vimm.f32 $0.0e+00  }
.LBB2_5:
0x44: {  	p0 =	sne.s32 s18, $0xFFFFFF00;
	v13 =	vld [tilespmem:s17+$0x4D30];
	v2 =	vadd.f32 v12, v2  }
0x45: {  	v14 =	vld [tilespmem:s17+$0x4080];
	v7 =	vadd.f32 v11, v7  }
0x46: {  	v15 =	vld [tilespmem:s17+$0x4090];
	v10 =	vadd.f32 v8, v10  }
.Ltmp1:
0x47: {  	v12 =	vld [tilespmem:s17+$0x40A0];
	v3 =	vadd.f32 v5, v3;
	(pc) =	sbr.rel @p0 .LBB2_5-.Ltmp1, $4  }
0x48: {  	v11 =	vld [tilespmem:s17+$0x40B0];
	v1 =	vadd.f32 v9, v1  }
0x49: {  	v8 =	vld [tilespmem:s17+$0x4D00];
	v0 =	vadd.f32 v13, v0  }
0x4a: {  	v6 =	vadd.f32 v14, v6;
	v5 =	vld [tilespmem:s17+$0x4D10]  }
0x4b: {  	v4 =	vadd.f32 v15, v4;
	v9 =	vld [tilespmem:s17+$0x4D20];
	s17 =	sshra.s32 s18, $0x2;
	s18 =	sadd.s32 $0x100, s18  }
0x4c: {  	v13 =	vld [tilespmem:s17+$0x4080]  }
0x4d: {  	v14 =	vld [tilespmem:s17+$0x4090]  }
0x4e: {  	v15 =	vld [tilespmem:s17+$0x40A0]  }
0x4f: {  	v16 =	vld [tilespmem:s17+$0x40B0]  }
0x50: {  	v17 =	vld [tilespmem:s17+$0x4D00]  }
0x51: {  	v2 =	vadd.f32 v12, v2;
	v57 =	vld [tilespmem:s17+$0x4D10];
	v6 =	vadd.f32 v13, v6  }
0x52: {  	v59 =	vld [tilespmem:s17+$0x4D30];
	v7 =	vadd.f32 v11, v7;
	v4 =	vadd.f32 v14, v4  }
0x53: {  	v58 =	vld [tilespmem:s17+$0x4D20];
	s16 =	sshll.u32 s16, $0x7;
	v8 =	vadd.f32 v8, v10;
	v2 =	vadd.f32 v15, v2;
	v6 =	vmul.f32 $1.999999960e-02, v6  }
0x54: {  	s16 =	sand.u32 $0x3FFFFF80, s16;
	v3 =	vadd.f32 v5, v3;
	v60 =	vadd.f32 v16, v7;
	v4 =	vmul.f32 $1.999999960e-02, v4  }
0x55: {  	v61 =	vadd.f32 v17, v8;
	v2 =	vmul.f32 $1.999999960e-02, v2;
	[tilespmem:s16+$0x4E00] =	vst v6  }
0x56: {  	s15 =	sadd.s32 $0x1, s15;
	v1 =	vadd.f32 v9, v1;
	v3 =	vadd.f32 v57, v3;
	v62 =	vmul.f32 $1.999999960e-02, v60;
	[tilespmem:s16+$0x4E10] =	vst v4  }
0x57: {  	p0 =	sne.s32 s15, $0x20;
	v0 =	vadd.f32 v59, v0;
	v63 =	vmul.f32 $1.999999960e-02, v61;
	[tilespmem:s16+$0x4E20] =	vst v2  }
.Ltmp2:
0x58: {  	v1 =	vadd.f32 v58, v1;
	v3 =	vmul.f32 $1.999999960e-02, v3;
	[tilespmem:s16+$0x4E30] =	vst v62;
	(pc) =	sbr.rel @p0 .LBB2_2-.Ltmp2, $4  }
0x59: {  	v0 =	vmul.f32 $1.999999960e-02, v0;
	[tilespmem:s16+$0x4E40] =	vst v63  }
0x5a: {  	v1 =	vmul.f32 $1.999999960e-02, v1;
	[tilespmem:s16+$0x4E50] =	vst v3  }
0x5b: {  	[tilespmem:s16+$0x4E70] =	vst v0  }
0x5c: {  	[tilespmem:s16+$0x4E60] =	vst v1  }
0x5d: {  	s14 =	sadd.s32 $0x1, s14  }
0x5e: {  	p0 =	sne.s32 s14, s6  }
.Ltmp3:
0x5f: {  	_ = 	snop;
	(pc) =	sbr.rel @p0 .LBB2_1-.Ltmp3, $4  }
0x60: {  	[hbm4b:s5+s2] =	stream.linear.scatter [tilespmem:s13], [sflag:$0x3], $0x2000, $0x38;
	[tilespmem:$0x6E00] =	vst v63  }
0x61: {  	_ =	swait.ge [sflag:s7], $0x2000  }
0x62: {  	[sflag:s7] =	ssyncset.done $0x0  }
0x63: {  	[sflag:s7] =	ssyncadd.s32 $0xFFFFE000  }
0x64: {  	_ =	sfence.sel $0x180000  }
0x65: {  	[bflag:$0x0] =	sbarrier.arrive $0xFFFF  }
0x66: {  	p0 =	sne.s32 s0, $0x0;
	_ =	strace $0x90000047  }
0x67: {  	s0 =	sadd.s32 @!p0 $0x100000, s1;
	[bflag:$0x2] =	sbarrier.arrive $0xFFFF  }
0x68: {  	[sflag:s0] =	ssyncadd.tile.s32 @!p0 $0x1;
	_ =	shalt  }
.Lfunc_end2:
_tile_overlayer_lowered:
.L_overlay_start_2:
0x69: {  	(tag) =	ssettag $0x2  }
0x6a: {  	s0 =	rddreg [dreg:$0x0];
	s2 =	stileid.u32  }
0x6b: {  	s1 =	rddreg [dreg:$0x1];
	p0 =	sne.s32 s2, $0x0  }
0x6c: {  	s3 =	rddreg [dreg:$0x2];
	[bflag:$0x3] =	sbarrier.arrive $0xFFFF;
	s2 =	simm.s32 @!p0 $0x1C03  }
0x6d: {  	[timem:s3], [sflag:s2] =	dma.local @!p0 [hbm:s0], s1  }
0x6e: {  	s0 =	simm.s32 @!p0 $0x3  }
0x6f: {  	_ =	swait.ge @!p0 [sflag:s0], s1  }
0x70: {  	s1 =	ssub.s32 @!p0 $0x0, s1;
	[sflag:s0] =	ssyncset.done @!p0 $0x0  }
0x71: {  	[sflag:s0] =	ssyncadd.s32 @!p0 s1  }
0x72: {  	[bflag:$0x3] =	sbarrier.arrive $0xFFFF  }
0x73: {  	_ =	shalt  }

</sc_bundles>
